<compile_context>
chip_gen: v7x
topology: tpu7x:2x2x1
jax: 0.10.2.dev20260603
libtpu: 0.0.44.dev20260713+nightly
codegen_flags: <defaults>
</compile_context>

<pallas_src>
import functools

import jax
import jax.numpy as jnp
from jax.experimental import pallas as pl
from jax.experimental.pallas import tpu as pltpu
from jax.experimental.pallas import tpu_sc as plsc

_M = 256
_N = 256
_DIM = 256
_NROWS = _M * _N
_R = 4096
_G = _NROWS // _R
_RES = 9
_SLABS = _R // _N


def _som_body(params_ref, x_ref, xe_ref, w_ref, out_ref,
              res_ref, fx_ref, fy_ref, gmin_ref, gidx_ref):
    i = pl.program_id(0)

    @pl.when(i == 0)
    def _init():
        gmin_ref[0] = jnp.float32(jnp.inf)
        gidx_ref[0] = jnp.int32(0)

    @pl.when(i < _G)
    def _phase1():
        w = w_ref[...]

        @pl.when(i < _RES)
        def _():
            res_ref[pl.ds(i * _R, _R), :] = w

        d = xe_ref[...] - w
        s2 = jnp.sum(d * d, axis=1, keepdims=True)
        m = jnp.min(s2)
        rows = jax.lax.broadcasted_iota(jnp.int32, (_R, 1), 0)
        idx = jnp.min(jnp.where(s2 == m, rows, _NROWS))

        @pl.when(m < gmin_ref[0])
        def _():
            gmin_ref[0] = m
            gidx_ref[0] = i * _R + idx

    @pl.when(i >= _G)
    def _phase2():
        @pl.when(i == _G)
        def _():
            bmu = gidx_ref[0]
            bmu_x = (bmu & 255).astype(jnp.float32)
            bmu_y = (bmu >> 8).astype(jnp.float32)
            alpha_op = params_ref[0]
            inv_sig2 = params_ref[1]
            c = jax.lax.broadcasted_iota(jnp.int32, (_N, 1), 0).astype(jnp.float32)
            dx = c - bmu_x
            dy = c - bmu_y
            fx_ref[...] = alpha_op * jnp.exp(-(dx * dx) * inv_sig2)
            fy_ref[...] = jnp.exp(-(dy * dy) * inv_sig2)

        b = 2 * _G - 1 - i
        xv = x_ref[...]
        fx = fx_ref[...]

        def upd(w_slab, yg):
            fyv = fy_ref[pl.ds(yg, 1), :]
            c = fyv * fx
            return w_slab + c * (xv - w_slab)

        @pl.when(b >= _RES)
        def _():
            for y in range(_SLABS):
                w_slab = w_ref[pl.ds(y * _N, _N), :]
                out_ref[pl.ds(y * _N, _N), :] = upd(w_slab, b * _SLABS + y)

        @pl.when(b < _RES)
        def _():
            for y in range(_SLABS):
                w_slab = res_ref[pl.ds(b * _R + y * _N, _N), :]
                out_ref[pl.ds(y * _N, _N), :] = upd(w_slab, b * _SLABS + y)


_NW = 32
_SC_CH = 256
_SC_ROWS = 32768


def _sc_probe(weights):
    mesh = plsc.VectorSubcoreMesh(core_axis_name="c", subcore_axis_name="s")
    rows_per_w = _SC_ROWS // _NW
    n_ch = rows_per_w // _SC_CH

    @functools.partial(
        pl.kernel, mesh=mesh,
        out_type=jax.ShapeDtypeStruct((_NW, _DIM), jnp.float32),
        scratch_types=[
            pltpu.VMEM((_SC_CH, _DIM), jnp.float32),
            pltpu.VMEM((_DIM,), jnp.float32),
        ],
    )
    def sc_scan(w_hbm, out_hbm, buf, acc_v):
        wid = jax.lax.axis_index("s") * 2 + jax.lax.axis_index("c")
        base = wid * rows_per_w
        for c in range(_DIM // 16):
            acc_v[pl.ds(c * 16, 16)] = jnp.zeros((16,), jnp.float32)

        def chunk_body(ci, _):
            pltpu.sync_copy(w_hbm.at[pl.ds(base + ci * _SC_CH, _SC_CH)], buf)
            acc_v[pl.ds(0, 16)] = acc_v[pl.ds(0, 16)] + buf[0, pl.ds(0, 16)]
            return _

        jax.lax.fori_loop(0, n_ch, chunk_body, 0)
        pltpu.sync_copy(acc_v, out_hbm.at[wid])

    return sc_scan(weights)


def kernel(x, weights, it):
    itf = jnp.asarray(it, jnp.float32)
    lr = 1.0 - itf / 100.0
    alpha_op = jnp.float32(0.3) * lr
    sigma_op = jnp.float32(128.0) * lr
    inv_sig2 = 1.0 / (sigma_op * sigma_op)
    params = jnp.stack([alpha_op, inv_sig2])

    x2d = x.reshape(1, _DIM)
    xeps = x2d + jnp.float32(1e-6)

    def w_idx(i):
        b = 2 * _G - 1 - i
        return (jnp.where(i < _G, i, jnp.maximum(b, _RES)), 0)

    def out_idx(i):
        return (jnp.where(i < _G, _G - 1, 2 * _G - 1 - i), 0)

    sc_out = _sc_probe(weights)
    return sc_out

    tc_out = pl.pallas_call(
        _som_body,
        grid=(2 * _G,),
        in_specs=[
            pl.BlockSpec(memory_space=pltpu.SMEM),
            pl.BlockSpec((1, _DIM), lambda i: (0, 0)),
            pl.BlockSpec((1, _DIM), lambda i: (0, 0)),
            pl.BlockSpec((_R, _DIM), w_idx),
        ],
        out_specs=pl.BlockSpec((_R, _DIM), out_idx),
        out_shape=jax.ShapeDtypeStruct((_NROWS, _DIM), jnp.float32),
        scratch_shapes=[
            pltpu.VMEM((max(_RES, 1) * _R, _DIM), jnp.float32),
            pltpu.VMEM((_N, 1), jnp.float32),
            pltpu.VMEM((_N, 1), jnp.float32),
            pltpu.SMEM((1,), jnp.float32),
            pltpu.SMEM((1,), jnp.int32),
        ],
        compiler_params=pltpu.CompilerParams(
            dimension_semantics=("arbitrary",),
        ),
    )(params, x2d, xeps, weights)
    return jax.lax.optimization_barrier((tc_out, sc_out))[0]

# --- scband reference (transcript-rebuilt; emitter-appended) ---
"""Pipeline reference for scband-som-51745765982769 (READ-ONLY COPY).

The authoritative reference and input builder live on the scoring server;
editing this copy changes nothing except your own understanding.
"""

import jax, jax.numpy as jnp
import numpy as np

M = 256
N = 256
DIM = 256
N_ITER = 100
ALPHA = 0.3
SIGMA = max(M, N) / 2.0


def setup_inputs(seed: int = 0) -> dict:
    key = jax.random.key(seed)
    k1, k2 = jax.random.split(key)
    x = jax.random.uniform(k1, (DIM,), dtype=jnp.float32)
    weights = jax.random.uniform(k2, (M * N, DIM), minval=0.25, maxval=1.0, dtype=jnp.float32)
    return {"x": x, "weights": weights, "it": 10}


def reference(x, weights, it):
    # grid locations, matching np.meshgrid(np.arange(m), np.arange(n)) raveled
    xs, ys = np.meshgrid(np.arange(M), np.arange(N))
    xc = jnp.asarray(xs.ravel(), dtype=jnp.float32)
    yc = jnp.asarray(ys.ravel(), dtype=jnp.float32)

    # get_bmu: PairwiseDistance(p=2) with eps=1e-6 between broadcast x and all weights
    diff = x[None, :] - weights + 1e-6
    dists = jnp.sqrt(jnp.sum(diff * diff, axis=1))
    bmu = jnp.argmin(dists)
    bmu_x = xc[bmu]
    bmu_y = yc[bmu]

    # time-decayed learning rate and neighbourhood radius
    lr = 1.0 - it / N_ITER
    alpha_op = ALPHA * lr
    sigma_op = SIGMA * lr

    # update_weights (non-toroidal branch)
    dx = xc - bmu_x
    dy = yc - bmu_y
    sum_square_distances = dx * dx + dy * dy
    scaled = sum_square_distances / (sigma_op ** 2)
    neighbourhood = jnp.exp(-scaled)
    lr_scalar = alpha_op * neighbourhood
    data_weight_diff = x[None, :] - weights
    delta = lr_scalar[:, None] * data_weight_diff
    new_weights = weights + delta
    return new_weights

if __name__ == "__main__":
    import jax
    _d = setup_inputs()
    print(jax.jit(kernel)(*tuple(_d.values())))

</pallas_src>

<mosaic_0001>
#map = affine_map<(d0, d1) -> (0, 0)>
module attributes {stable_mosaic.version = 14 : i64} {
  func.func @sc_scan(%arg0: i32, %arg1: i32, %arg2: memref<65536x256xf32, #tpu.memory_space<hbm>>, %arg3: memref<32x256xf32, #tpu.memory_space<hbm>>, %arg4: memref<256x256xf32, #tpu.memory_space<vmem>>, %arg5: memref<256xf32, #tpu.memory_space<vmem>>) attributes {dimension_semantics = [#tpu.dimension_semantics<core_parallel>, #tpu.dimension_semantics<subcore_parallel>], iteration_bounds = array<i64: 2, 16>, scalar_prefetch = 0 : i64, scratch_operands = 2 : i64, tpu.core_type = #tpu.core_type<sc_vector_subcore>, window_params = [{transform_indices = #map}, {transform_indices = #map}]} {
    %mul3A = arith.constant 2 : i32
    %mul3A_0 = arith.muli %arg1, %mul3A : i32
    %add3A = arith.addi %mul3A_0, %arg0 : i32
    %mul3A_1 = arith.constant 1024 : i32
    %mul3A_2 = arith.muli %add3A, %mul3A_1 : i32
    %broadcast_in_dim3A = arith.constant 0.000000e+00 : f32
    %broadcast_in_dim3A_3 = vector.broadcast %broadcast_in_dim3A : f32 to vector<16xf32>
    %swap3A = arith.constant 0 : index
    %swap3A_4 = tpu.vector_load %arg5[%swap3A] {strides = array<i32>} : memref<256xf32, #tpu.memory_space<vmem>>, vector<16xf32>,
    %swap3A_5 = vector.shape_cast %swap3A_4 : vector<16xf32> to vector<16xf32>
    %swap3A_6 = vector.shape_cast %broadcast_in_dim3A_3 : vector<16xf32> to vector<16xf32>
    tpu.vector_store %arg5[%swap3A], %swap3A_6 {strides = array<i32>} : memref<256xf32, #tpu.memory_space<vmem>>, vector<16xf32>,
    %broadcast_in_dim3A_7 = arith.constant 0.000000e+00 : f32
    %broadcast_in_dim3A_8 = vector.broadcast %broadcast_in_dim3A_7 : f32 to vector<16xf32>
    %swap3A_9 = arith.constant 16 : index
    %swap3A_10 = tpu.vector_load %arg5[%swap3A_9] {strides = array<i32>} : memref<256xf32, #tpu.memory_space<vmem>>, vector<16xf32>,
    %swap3A_11 = vector.shape_cast %swap3A_10 : vector<16xf32> to vector<16xf32>
    %swap3A_12 = vector.shape_cast %broadcast_in_dim3A_8 : vector<16xf32> to vector<16xf32>
    tpu.vector_store %arg5[%swap3A_9], %swap3A_12 {strides = array<i32>} : memref<256xf32, #tpu.memory_space<vmem>>, vector<16xf32>,
    %broadcast_in_dim3A_13 = arith.constant 0.000000e+00 : f32
    %broadcast_in_dim3A_14 = vector.broadcast %broadcast_in_dim3A_13 : f32 to vector<16xf32>
    %swap3A_15 = arith.constant 32 : index
    %swap3A_16 = tpu.vector_load %arg5[%swap3A_15] {strides = array<i32>} : memref<256xf32, #tpu.memory_space<vmem>>, vector<16xf32>,
    %swap3A_17 = vector.shape_cast %swap3A_16 : vector<16xf32> to vector<16xf32>
    %swap3A_18 = vector.shape_cast %broadcast_in_dim3A_14 : vector<16xf32> to vector<16xf32>
    tpu.vector_store %arg5[%swap3A_15], %swap3A_18 {strides = array<i32>} : memref<256xf32, #tpu.memory_space<vmem>>, vector<16xf32>,
    %broadcast_in_dim3A_19 = arith.constant 0.000000e+00 : f32
    %broadcast_in_dim3A_20 = vector.broadcast %broadcast_in_dim3A_19 : f32 to vector<16xf32>
    %swap3A_21 = arith.constant 48 : index
    %swap3A_22 = tpu.vector_load %arg5[%swap3A_21] {strides = array<i32>} : memref<256xf32, #tpu.memory_space<vmem>>, vector<16xf32>,
    %swap3A_23 = vector.shape_cast %swap3A_22 : vector<16xf32> to vector<16xf32>
    %swap3A_24 = vector.shape_cast %broadcast_in_dim3A_20 : vector<16xf32> to vector<16xf32>
    tpu.vector_store %arg5[%swap3A_21], %swap3A_24 {strides = array<i32>} : memref<256xf32, #tpu.memory_space<vmem>>, vector<16xf32>,
    %broadcast_in_dim3A_25 = arith.constant 0.000000e+00 : f32
    %broadcast_in_dim3A_26 = vector.broadcast %broadcast_in_dim3A_25 : f32 to vector<16xf32>
    %swap3A_27 = arith.constant 64 : index
    %swap3A_28 = tpu.vector_load %arg5[%swap3A_27] {strides = array<i32>} : memref<256xf32, #tpu.memory_space<vmem>>, vector<16xf32>,
    %swap3A_29 = vector.shape_cast %swap3A_28 : vector<16xf32> to vector<16xf32>
    %swap3A_30 = vector.shape_cast %broadcast_in_dim3A_26 : vector<16xf32> to vector<16xf32>
    tpu.vector_store %arg5[%swap3A_27], %swap3A_30 {strides = array<i32>} : memref<256xf32, #tpu.memory_space<vmem>>, vector<16xf32>,
    %broadcast_in_dim3A_31 = arith.constant 0.000000e+00 : f32
    %broadcast_in_dim3A_32 = vector.broadcast %broadcast_in_dim3A_31 : f32 to vector<16xf32>
    %swap3A_33 = arith.constant 80 : index
    %swap3A_34 = tpu.vector_load %arg5[%swap3A_33] {strides = array<i32>} : memref<256xf32, #tpu.memory_space<vmem>>, vector<16xf32>,
    %swap3A_35 = vector.shape_cast %swap3A_34 : vector<16xf32> to vector<16xf32>
    %swap3A_36 = vector.shape_cast %broadcast_in_dim3A_32 : vector<16xf32> to vector<16xf32>
    tpu.vector_store %arg5[%swap3A_33], %swap3A_36 {strides = array<i32>} : memref<256xf32, #tpu.memory_space<vmem>>, vector<16xf32>,
    %broadcast_in_dim3A_37 = arith.constant 0.000000e+00 : f32
    %broadcast_in_dim3A_38 = vector.broadcast %broadcast_in_dim3A_37 : f32 to vector<16xf32>
    %swap3A_39 = arith.constant 96 : index
    %swap3A_40 = tpu.vector_load %arg5[%swap3A_39] {strides = array<i32>} : memref<256xf32, #tpu.memory_space<vmem>>, vector<16xf32>,
    %swap3A_41 = vector.shape_cast %swap3A_40 : vector<16xf32> to vector<16xf32>
    %swap3A_42 = vector.shape_cast %broadcast_in_dim3A_38 : vector<16xf32> to vector<16xf32>
    tpu.vector_store %arg5[%swap3A_39], %swap3A_42 {strides = array<i32>} : memref<256xf32, #tpu.memory_space<vmem>>, vector<16xf32>,
    %broadcast_in_dim3A_43 = arith.constant 0.000000e+00 : f32
    %broadcast_in_dim3A_44 = vector.broadcast %broadcast_in_dim3A_43 : f32 to vector<16xf32>
    %swap3A_45 = arith.constant 112 : index
    %swap3A_46 = tpu.vector_load %arg5[%swap3A_45] {strides = array<i32>} : memref<256xf32, #tpu.memory_space<vmem>>, vector<16xf32>,
    %swap3A_47 = vector.shape_cast %swap3A_46 : vector<16xf32> to vector<16xf32>
    %swap3A_48 = vector.shape_cast %broadcast_in_dim3A_44 : vector<16xf32> to vector<16xf32>
    tpu.vector_store %arg5[%swap3A_45], %swap3A_48 {strides = array<i32>} : memref<256xf32, #tpu.memory_space<vmem>>, vector<16xf32>,
    %broadcast_in_dim3A_49 = arith.constant 0.000000e+00 : f32
    %broadcast_in_dim3A_50 = vector.broadcast %broadcast_in_dim3A_49 : f32 to vector<16xf32>
    %swap3A_51 = arith.constant 128 : index
    %swap3A_52 = tpu.vector_load %arg5[%swap3A_51] {strides = array<i32>} : memref<256xf32, #tpu.memory_space<vmem>>, vector<16xf32>,
    %swap3A_53 = vector.shape_cast %swap3A_52 : vector<16xf32> to vector<16xf32>
    %swap3A_54 = vector.shape_cast %broadcast_in_dim3A_50 : vector<16xf32> to vector<16xf32>
    tpu.vector_store %arg5[%swap3A_51], %swap3A_54 {strides = array<i32>} : memref<256xf32, #tpu.memory_space<vmem>>, vector<16xf32>,
    %broadcast_in_dim3A_55 = arith.constant 0.000000e+00 : f32
    %broadcast_in_dim3A_56 = vector.broadcast %broadcast_in_dim3A_55 : f32 to vector<16xf32>
    %swap3A_57 = arith.constant 144 : index
    %swap3A_58 = tpu.vector_load %arg5[%swap3A_57] {strides = array<i32>} : memref<256xf32, #tpu.memory_space<vmem>>, vector<16xf32>,
    %swap3A_59 = vector.shape_cast %swap3A_58 : vector<16xf32> to vector<16xf32>
    %swap3A_60 = vector.shape_cast %broadcast_in_dim3A_56 : vector<16xf32> to vector<16xf32>
    tpu.vector_store %arg5[%swap3A_57], %swap3A_60 {strides = array<i32>} : memref<256xf32, #tpu.memory_space<vmem>>, vector<16xf32>,
    %broadcast_in_dim3A_61 = arith.constant 0.000000e+00 : f32
    %broadcast_in_dim3A_62 = vector.broadcast %broadcast_in_dim3A_61 : f32 to vector<16xf32>
    %swap3A_63 = arith.constant 160 : index
    %swap3A_64 = tpu.vector_load %arg5[%swap3A_63] {strides = array<i32>} : memref<256xf32, #tpu.memory_space<vmem>>, vector<16xf32>,
    %swap3A_65 = vector.shape_cast %swap3A_64 : vector<16xf32> to vector<16xf32>
    %swap3A_66 = vector.shape_cast %broadcast_in_dim3A_62 : vector<16xf32> to vector<16xf32>
    tpu.vector_store %arg5[%swap3A_63], %swap3A_66 {strides = array<i32>} : memref<256xf32, #tpu.memory_space<vmem>>, vector<16xf32>,
    %broadcast_in_dim3A_67 = arith.constant 0.000000e+00 : f32
    %broadcast_in_dim3A_68 = vector.broadcast %broadcast_in_dim3A_67 : f32 to vector<16xf32>
    %swap3A_69 = arith.constant 176 : index
    %swap3A_70 = tpu.vector_load %arg5[%swap3A_69] {strides = array<i32>} : memref<256xf32, #tpu.memory_space<vmem>>, vector<16xf32>,
    %swap3A_71 = vector.shape_cast %swap3A_70 : vector<16xf32> to vector<16xf32>
    %swap3A_72 = vector.shape_cast %broadcast_in_dim3A_68 : vector<16xf32> to vector<16xf32>
    tpu.vector_store %arg5[%swap3A_69], %swap3A_72 {strides = array<i32>} : memref<256xf32, #tpu.memory_space<vmem>>, vector<16xf32>,
    %broadcast_in_dim3A_73 = arith.constant 0.000000e+00 : f32
    %broadcast_in_dim3A_74 = vector.broadcast %broadcast_in_dim3A_73 : f32 to vector<16xf32>
    %swap3A_75 = arith.constant 192 : index
    %swap3A_76 = tpu.vector_load %arg5[%swap3A_75] {strides = array<i32>} : memref<256xf32, #tpu.memory_space<vmem>>, vector<16xf32>,
    %swap3A_77 = vector.shape_cast %swap3A_76 : vector<16xf32> to vector<16xf32>
    %swap3A_78 = vector.shape_cast %broadcast_in_dim3A_74 : vector<16xf32> to vector<16xf32>
    tpu.vector_store %arg5[%swap3A_75], %swap3A_78 {strides = array<i32>} : memref<256xf32, #tpu.memory_space<vmem>>, vector<16xf32>,
    %broadcast_in_dim3A_79 = arith.constant 0.000000e+00 : f32
    %broadcast_in_dim3A_80 = vector.broadcast %broadcast_in_dim3A_79 : f32 to vector<16xf32>
    %swap3A_81 = arith.constant 208 : index
    %swap3A_82 = tpu.vector_load %arg5[%swap3A_81] {strides = array<i32>} : memref<256xf32, #tpu.memory_space<vmem>>, vector<16xf32>,
    %swap3A_83 = vector.shape_cast %swap3A_82 : vector<16xf32> to vector<16xf32>
    %swap3A_84 = vector.shape_cast %broadcast_in_dim3A_80 : vector<16xf32> to vector<16xf32>
    tpu.vector_store %arg5[%swap3A_81], %swap3A_84 {strides = array<i32>} : memref<256xf32, #tpu.memory_space<vmem>>, vector<16xf32>,
    %broadcast_in_dim3A_85 = arith.constant 0.000000e+00 : f32
    %broadcast_in_dim3A_86 = vector.broadcast %broadcast_in_dim3A_85 : f32 to vector<16xf32>
    %swap3A_87 = arith.constant 224 : index
    %swap3A_88 = tpu.vector_load %arg5[%swap3A_87] {strides = array<i32>} : memref<256xf32, #tpu.memory_space<vmem>>, vector<16xf32>,
    %swap3A_89 = vector.shape_cast %swap3A_88 : vector<16xf32> to vector<16xf32>
    %swap3A_90 = vector.shape_cast %broadcast_in_dim3A_86 : vector<16xf32> to vector<16xf32>
    tpu.vector_store %arg5[%swap3A_87], %swap3A_90 {strides = array<i32>} : memref<256xf32, #tpu.memory_space<vmem>>, vector<16xf32>,
    %broadcast_in_dim3A_91 = arith.constant 0.000000e+00 : f32
    %broadcast_in_dim3A_92 = vector.broadcast %broadcast_in_dim3A_91 : f32 to vector<16xf32>
    %swap3A_93 = arith.constant 240 : index
    %swap3A_94 = tpu.vector_load %arg5[%swap3A_93] {strides = array<i32>} : memref<256xf32, #tpu.memory_space<vmem>>, vector<16xf32>,
    %swap3A_95 = vector.shape_cast %swap3A_94 : vector<16xf32> to vector<16xf32>
    %swap3A_96 = vector.shape_cast %broadcast_in_dim3A_92 : vector<16xf32> to vector<16xf32>
    tpu.vector_store %arg5[%swap3A_93], %swap3A_96 {strides = array<i32>} : memref<256xf32, #tpu.memory_space<vmem>>, vector<16xf32>,
    %scan3A = arith.constant 0 : i32
    %scan3A_97 = arith.constant 0 : i32
    %scan3A_98 = arith.constant 4 : i32
    %scan3A_99 = arith.addi %scan3A_97, %scan3A_98 : i32
    %scan3A_100 = arith.constant 1 : i32
    scf.for %scan3A_102 = %scan3A_97 to %scan3A_99 step %scan3A_100  : i32 {
      %mul3A_103 = arith.constant 256 : i32
      %mul3A_104 = arith.muli %scan3A_102, %mul3A_103 : i32
      %add3A_105 = arith.addi %mul3A_2, %mul3A_104 : i32
      "tpu.region"() ({
        %run_scoped3A = tpu.sem_alloc : memref<!tpu.dma_semaphore, #tpu.memory_space<semaphore_mem>>
        %dma_start3A = arith.constant 0 : i32
        %dma_start3A_118 = tpu.memref_slice %arg2[%add3A_105, %dma_start3A] : memref<65536x256xf32, #tpu.memory_space<hbm>> -> memref<256x256xf32, #tpu.memory_space<hbm>>
        %dma_start3A_119 = arith.constant 0 : i32
        %dma_start3A_120 = tpu.memref_slice %arg2[%add3A_105, %dma_start3A_119] : memref<65536x256xf32, #tpu.memory_space<hbm>> -> memref<256x256xf32, #tpu.memory_space<hbm>>
        tpu.enqueue_dma source(%dma_start3A_120 : memref<256x256xf32, #tpu.memory_space<hbm>>) target(%arg4 : memref<256x256xf32, #tpu.memory_space<vmem>>) target_semaphore(%run_scoped3A : memref<!tpu.dma_semaphore, #tpu.memory_space<semaphore_mem>>)
        %dma_wait3A = arith.constant 0 : i32
        %dma_wait3A_121 = tpu.memref_slice %arg2[%add3A_105, %dma_wait3A] : memref<65536x256xf32, #tpu.memory_space<hbm>> -> memref<256x256xf32, #tpu.memory_space<hbm>>
        %dma_wait3A_122 = arith.constant 0 : i32
        %dma_wait3A_123 = tpu.memref_slice %arg2[%add3A_105, %dma_wait3A_122] : memref<65536x256xf32, #tpu.memory_space<hbm>> -> memref<256x256xf32, #tpu.memory_space<hbm>>
        tpu.wait_dma2 semaphore(%run_scoped3A : memref<!tpu.dma_semaphore, #tpu.memory_space<semaphore_mem>>) src(%dma_wait3A_123 : memref<256x256xf32, #tpu.memory_space<hbm>>) dst(%arg4 : memref<256x256xf32, #tpu.memory_space<vmem>>)
        tpu.yield
      }) : () -> ()
      %get3A = arith.constant 0 : index
      %get3A_106 = tpu.vector_load %arg5[%get3A] {strides = array<i32>} : memref<256xf32, #tpu.memory_space<vmem>>, vector<16xf32>,
      %get3A_107 = vector.shape_cast %get3A_106 : vector<16xf32> to vector<16xf32>
      %get3A_108 = arith.constant 0 : i32
      %get3A_109 = arith.index_cast %get3A_108 : i32 to index
      %get3A_110 = arith.constant 0 : index
      %get3A_111 = tpu.vector_load %arg4[%get3A_109, %get3A_110] {strides = array<i32>} : memref<256x256xf32, #tpu.memory_space<vmem>>, vector<1x16xf32>,
      %get3A_112 = vector.shape_cast %get3A_111 : vector<1x16xf32> to vector<16xf32>
      %add3A_113 = arith.addf %get3A_107, %get3A_112 : vector<16xf32>
      %swap3A_114 = arith.constant 0 : index
      %swap3A_115 = tpu.vector_load %arg5[%swap3A_114] {strides = array<i32>} : memref<256xf32, #tpu.memory_space<vmem>>, vector<16xf32>,
      %swap3A_116 = vector.shape_cast %swap3A_115 : vector<16xf32> to vector<16xf32>
      %swap3A_117 = vector.shape_cast %add3A_113 : vector<16xf32> to vector<16xf32>
      tpu.vector_store %arg5[%swap3A_114], %swap3A_117 {strides = array<i32>} : memref<256xf32, #tpu.memory_space<vmem>>, vector<16xf32>,
    }
    %scan3A_101 = arith.constant 4 : i32
    "tpu.region"() ({
      %run_scoped3A = tpu.sem_alloc : memref<!tpu.dma_semaphore, #tpu.memory_space<semaphore_mem>>
      %dma_start3A = arith.constant 0 : i32
      %dma_start3A_102 = tpu.memref_slice %arg3[%add3A, %dma_start3A] : memref<32x256xf32, #tpu.memory_space<hbm>> -> memref<1x256xf32, #tpu.memory_space<hbm>>
      %dma_start3A_103 = tpu.memref_squeeze %dma_start3A_102 : memref<1x256xf32, #tpu.memory_space<hbm>> -> memref<256xf32, #tpu.memory_space<hbm>>
      %dma_start3A_104 = arith.constant 0 : i32
      %dma_start3A_105 = tpu.memref_slice %arg3[%add3A, %dma_start3A_104] : memref<32x256xf32, #tpu.memory_space<hbm>> -> memref<1x256xf32, #tpu.memory_space<hbm>>
      %dma_start3A_106 = tpu.memref_squeeze %dma_start3A_105 : memref<1x256xf32, #tpu.memory_space<hbm>> -> memref<256xf32, #tpu.memory_space<hbm>>
      tpu.enqueue_dma source(%arg5 : memref<256xf32, #tpu.memory_space<vmem>>) target(%dma_start3A_106 : memref<256xf32, #tpu.memory_space<hbm>>) target_semaphore(%run_scoped3A : memref<!tpu.dma_semaphore, #tpu.memory_space<semaphore_mem>>)
      %dma_wait3A = arith.constant 0 : i32
      %dma_wait3A_107 = tpu.memref_slice %arg3[%add3A, %dma_wait3A] : memref<32x256xf32, #tpu.memory_space<hbm>> -> memref<1x256xf32, #tpu.memory_space<hbm>>
      %dma_wait3A_108 = tpu.memref_squeeze %dma_wait3A_107 : memref<1x256xf32, #tpu.memory_space<hbm>> -> memref<256xf32, #tpu.memory_space<hbm>>
      %dma_wait3A_109 = arith.constant 0 : i32
      %dma_wait3A_110 = tpu.memref_slice %arg3[%add3A, %dma_wait3A_109] : memref<32x256xf32, #tpu.memory_space<hbm>> -> memref<1x256xf32, #tpu.memory_space<hbm>>
      %dma_wait3A_111 = tpu.memref_squeeze %dma_wait3A_110 : memref<1x256xf32, #tpu.memory_space<hbm>> -> memref<256xf32, #tpu.memory_space<hbm>>
      tpu.wait_dma2 semaphore(%run_scoped3A : memref<!tpu.dma_semaphore, #tpu.memory_space<semaphore_mem>>) src(%arg5 : memref<256xf32, #tpu.memory_space<vmem>>) dst(%dma_wait3A_111 : memref<256xf32, #tpu.memory_space<hbm>>)
      tpu.yield
    }) : () -> ()
    return
  }
}

</mosaic_0001>

<sc_bundles>
// kernel: kernel.3.cloned.1.call-start
scs
__scs_entry_jumppad:
0x0: {  	(pc) =	sbr.rel $0x88, $3  }
0x1: {  	(tag) =	ssettag $0x0;
	lr =	simm.s32 $0x1  }
0x2: {  	[smem:$0x3FA0] =	sst lr;
	_ =	strace $0xD0000000  }
0x3: {  	_ = 	snop  }
0x4: {  	_ = 	snop  }
0x5: {  	_ = 	snop  }
0x6: {  	_ = 	snop  }
0x7: {  	_ = 	snop  }
__scs_overlays_trampoline_lowered:
0x8: {  	[smem:$0x3FAF] =	sst s0  }
0x9: {  	[smem:$0x3FB0] =	sst s1  }
0xa: {  	[smem:$0x3FB1] =	sst s2  }
0xb: {  	[smem:$0x3FB2] =	sst s3  }
0xc: {  	[smem:$0x3FB3] =	sst s4  }
0xd: {  	[smem:$0x3FB4] =	sst s5  }
0xe: {  	[smem:$0x3FB5] =	sst s6  }
0xf: {  	[smem:$0x3FB6] =	sst s7  }
0x10: {  	[smem:$0x3FB7] =	sst s8  }
0x11: {  	[smem:$0x3FB8] =	sst s9;
	s0 =	simm.s32 @!p0 $0x0  }
0x12: {  	s1 =	sld [smem:$0x3F9E];
	s0 =	simm.s32 @p0 $0x1  }
0x13: {  	[smem:$0x3FB9] =	sst s0;
	s0 =	simm.s32 @!p1 $0x0  }
0x14: {  	s2 =	sld [smem:$0x3F9D];
	s0 =	simm.s32 @p1 $0x1  }
0x15: {  	[smem:$0x3FBA] =	sst s0;
	s0 =	simm.s32 @!p2 $0x0  }
0x16: {  	s3 =	sld [smem:$0x3FDB];
	s0 =	simm.s32 @p2 $0x1  }
0x17: {  	s4 =	simm.s32 $0x1BF5;
	[smem:$0x3FBC] =	sst s0  }
0x18: {  	s0 =	sld [smem:$0x3F9F];
	_ =	swait.ge [sflag:s4], $0x0  }
0x19: {  	s7 =	sld [smem:$0x3FA0]  }
0x1a: {  	s8 =	sadd.s32 $0xFFFFE003, lr  }
0x1b: {  	s9 =	sadd.s32 $0xFFFFFEF7, lr;
	s5 =	simm.s32 $0xFFFFFFFF;
	p2 =	slt.u32 s8, $0xFFFFF086  }
0x1c: {  	p1 =	slt.u32 s9, $0xF7A;
	s5 =	simm.s32 @!p2 $0x0  }
0x1d: {  	s5 =	simm.s32 @p1 $0x1;
	p0 =	seq.s32 s7, s2  }
0x1e: {  	s7 =	smul.u32 @!p0 $0xF7A, s2;
	p2 =	seq.s32 @!p0 s5, $0x0  }
0x1f: {  	s9 =	smul.u32 $0xF7A, s1;
	s8 =	simm.s32 @!p0 $0x1BF5;
	p2 =	por !p2, p0  }
0x20: {  	[sflag:s8] =	ssyncset.s32 @!p0 $0xFFFFF086;
	s6 =	sadd.s32 @!p0 s3, s7;
	s7 =	simm.s32 @!p0 $0x108  }
0x21: {  	s3 =	sadd.s32 s3, s9;
	s6 =	sadd.s32 @!p0 $0x88, s6;
	s7 =	simm.s32 @p2 $0x1082  }
0x22: {  	[simem:s7], [sflag:s8] =	dma.local @!p0 [hbm:s6], $0xF7A  }
0x23: {  	s9 =	sor.u32 $0xD0000000, s2;
	s6 =	simm.s32 $0x108;
	_ =	swait.ge @!p0 [sflag:s8], $0x0  }
0x24: {  	s3 =	sadd.s32 $0x88, s3;
	s6 =	simm.s32 @!p1 $0x1082;
	[sflag:s4] =	ssyncset.s32 $0xFFFFF086  }
0x25: {  	[simem:s6], [sflag:s4] =	dma.local [hbm:s3], $0xF7A  }
0x26: {  	[smem:$0x3FA0] =	sst s1;
	(tag) =	ssettag s2;
	_ =	strace s9  }
0x27: {  	s1 =	sld [smem:$0x3FB0]  }
0x28: {  	s2 =	sld [smem:$0x3FB1]  }
0x29: {  	s4 =	sld [smem:$0x3FB3]  }
0x2a: {  	p0 =	seq.s32 s5, $0x0;
	s5 =	sld [smem:$0x3FB4]  }
0x2b: {  	s6 =	sld [smem:$0x3FB5]  }
0x2c: {  	s7 =	sld [smem:$0x3FB6]  }
0x2d: {  	s3 =	simm.s32 $0x108;
	s8 =	sld [smem:$0x3FB7]  }
0x2e: {  	s3 =	simm.s32 @!p0 $0x1082;
	s9 =	sld [smem:$0x3FB8]  }
0x2f: {  	lr =	sadd.s32 s0, s3;
	s0 =	sld [smem:$0x3FAF]  }
0x30: {  	s3 =	sld [smem:$0x3FB2]  }
0x31: {  	[smem:$0x3FBB] =	sst s10  }
0x32: {  	s10 =	sld [smem:$0x3FB9];
	_ =	sdelay $0x3  }
0x33: {  	p0 =	seq.s32 s10, $0x1;
	s10 =	sld [smem:$0x3FBB];
	_ =	sdelay $0x3  }
0x34: {  	[smem:$0x3FBB] =	sst s10  }
0x35: {  	s10 =	sld [smem:$0x3FBA];
	_ =	sdelay $0x3  }
0x36: {  	p1 =	seq.s32 s10, $0x1;
	s10 =	sld [smem:$0x3FBB];
	_ =	sdelay $0x3  }
0x37: {  	[smem:$0x3FBB] =	sst s10  }
0x38: {  	s10 =	sld [smem:$0x3FBC]  }
0x39: {  	_ = 	snop;
	(pc) =	sbr.ind lr, $3  }
0x3a: {  	_ = 	snop  }
0x3b: {  	_ = 	snop  }
0x3c: {  	p2 =	seq.s32 s10, $0x1;
	s10 =	sld [smem:$0x3FBB]  }
0x3d: {  	_ =	shalt  }
0x3e: {  	_ =	shalt  }
0x3f: {  	_ =	shalt  }
0x40: {  	_ =	shalt  }
0x41: {  	_ =	shalt  }
0x42: {  	_ =	shalt  }
0x43: {  	_ =	shalt  }
0x44: {  	_ =	shalt  }
0x45: {  	_ =	shalt  }
0x46: {  	_ =	shalt  }
0x47: {  	_ =	shalt  }
0x48: {  	_ =	shalt  }
0x49: {  	_ =	shalt  }
0x4a: {  	_ =	shalt  }
0x4b: {  	_ =	shalt  }
0x4c: {  	_ =	shalt  }
0x4d: {  	_ =	shalt  }
0x4e: {  	_ =	shalt  }
0x4f: {  	_ =	shalt  }
0x50: {  	_ =	shalt  }
0x51: {  	_ =	shalt  }
0x52: {  	_ =	shalt  }
0x53: {  	_ =	shalt  }
0x54: {  	_ =	shalt  }
0x55: {  	_ =	shalt  }
0x56: {  	_ =	shalt  }
0x57: {  	_ =	shalt  }
0x58: {  	_ =	shalt  }
0x59: {  	_ =	shalt  }
0x5a: {  	_ =	shalt  }
0x5b: {  	_ =	shalt  }
0x5c: {  	_ =	shalt  }
0x5d: {  	_ =	shalt  }
0x5e: {  	_ =	shalt  }
0x5f: {  	_ =	shalt  }
0x60: {  	_ =	shalt  }
0x61: {  	_ =	shalt  }
0x62: {  	_ =	shalt  }
0x63: {  	_ =	shalt  }
0x64: {  	_ =	shalt  }
0x65: {  	_ =	shalt  }
0x66: {  	_ =	shalt  }
0x67: {  	_ =	shalt  }
0x68: {  	_ =	shalt  }
0x69: {  	_ =	shalt  }
0x6a: {  	_ =	shalt  }
0x6b: {  	_ =	shalt  }
0x6c: {  	_ =	shalt  }
0x6d: {  	_ =	shalt  }
0x6e: {  	_ =	shalt  }
0x6f: {  	_ =	shalt  }
0x70: {  	_ =	shalt  }
0x71: {  	_ =	shalt  }
0x72: {  	_ =	shalt  }
0x73: {  	_ =	shalt  }
0x74: {  	_ =	shalt  }
0x75: {  	_ =	shalt  }
0x76: {  	_ =	shalt  }
0x77: {  	_ =	shalt  }
0x78: {  	_ =	shalt  }
0x79: {  	_ =	shalt  }
0x7a: {  	_ =	shalt  }
0x7b: {  	_ =	shalt  }
0x7c: {  	_ =	shalt  }
0x7d: {  	_ =	shalt  }
0x7e: {  	_ =	shalt  }
0x7f: {  	_ =	shalt  }
0x80: {  	_ =	shalt  }
0x81: {  	_ =	shalt  }
0x82: {  	_ =	shalt  }
0x83: {  	_ =	shalt  }
0x84: {  	_ =	shalt  }
0x85: {  	_ =	shalt  }
0x86: {  	_ =	shalt  }
0x87: {  	_ =	shalt  }
.Lfunc_end0:
.L_simem_size_0:
called_computation_lowered:
.L_overlay_start_0:
0x88: {  	s2 =	sld [smem:$0x3FD9]  }
0x89: {  	s3 =	sld [smem:$0x3FFE];
	_ =	sdelay $0x1  }
0x8a: {  	s1 =	srdreg.scid  }
0x8b: {  	s0 =	sand.u32 $0x1, s1  }
0x8c: {  	s18 =	sshll.u32 s0, $0xA;
	s2 =	sadd.s32 s3, s2  }
0x8d: {  	s2 =	sadd.s32 s2, s18  }
0x8e: {  	[smem:$0x3FC7] =	sst s2  }
0x8f: {  	_ = 	snop  }
0x90: {  	s2 =	sld [smem:$0x3FC9]  }
0x91: {  	s19 =	sld [smem:$0x3FD0];
	(tm) =	ssettm $0x1  }
0x92: {  	s4 =	sld [smem:$0x3FFB];
	_ =	sdelay $0x3  }
0x93: {  	_ =	strace s4  }
0x94: {  	s4 =	sld [smem:$0x3FFC];
	_ =	sdelay $0x3  }
0x95: {  	_ =	strace s4  }
0x96: {  	s4 =	sld [smem:$0x3FFD];
	_ =	sdelay $0x3  }
0x97: {  	_ =	strace s4  }
0x98: {  	_ =	strace $0x8FFFFFFF  }
0x99: {  	s20 =	sld [smem:$0x3FDB];
	_ =	sdelay $0x1  }
0x9a: {  	s5 =	simm.s32 $_scs_section_size  }
0x9b: {  	s6 =	simm.s32 $_size__tile_overlayer_lowered;
	s7 =	simm.s32 $_tile_overlayer_lowered  }
0x9c: {  	s23 =	simm.s32 $0x1BFF;
	s22 =	sshll.u32 s7, $0x1;
	s4 =	sadd.s32 s5, s20  }
0x9d: {  	s8 =	simm.s32 $0x0;
	s21 =	sshll.u32 s6, $0x1;
	s6 =	sadd.s32 s22, s4  }
0x9e: {  	[timem:s8], [sflag:s23] =	dma.local [hbm:s6], s21  }
0x9f: {  	_ =	swait.ge [sflag:s23], s21  }
0xa0: {  	s5 =	ssub.s32 $0x0, s21;
	[sflag:s23] =	ssyncset.done $0x0  }
0xa1: {  	[sflag:s23] =	ssyncadd.s32 s5;
	_ =	sdelay $0x1  }
0xa2: {  	s24 =	simm.s32 $0x1B8B  }
0xa3: {  	_ =	swait.ge [sflag:s24], $0x1  }
0xa4: {  	[sflag:s24] =	ssyncset.done $0x0  }
0xa5: {  	s25 =	simm.s32 $0x1B8E;
	[sflag:s24] =	ssyncadd.s32 $0xFFFFFFFF  }
0xa6: {  	s26 =	simm.s32 $execute0_lowered;
	[smem:$0x3FD2] =	sst s25  }
0xa7: {  	s5 =	sshll.u32 s26, $0x1;
	_ =	strace $0x80000046;
	[dreg:$0x1] =	wrdreg $0xFFFFFFFF  }
0xa8: {  	s28 =	simm.s32 $_size_execute0_lowered;
	s4 =	sadd.s32 s4, s5;
	[dreg:$0x0] =	wrdreg $0x0  }
0xa9: {  	s5 =	sshll.u32 s28, $0x1;
	[dreg:$0x2] =	wrdreg s4  }
0xaa: {  	[dreg:$0x3] =	wrdreg s5  }
0xab: {  	[dreg:$0x4] =	wrdreg $0xC0  }
0xac: {  	_ =	task [dreg:s8], $0x5FFFF  }
0xad: {  	[dreg:$0x1] =	wrdreg $0xFFFFFFFF  }
0xae: {  	[dreg:$0x0] =	wrdreg $0x60  }
0xaf: {  	[dreg:$0x2] =	wrdreg s2  }
0xb0: {  	[dreg:$0x3] =	wrdreg s19  }
0xb1: {  	[dreg:$0x4] =	wrdreg $0x9  }
0xb2: {  	_ =	task.clear_ibuf [dreg:s8], $0x5FFFF;
	_ =	strace $0x90000046  }
0xb3: {  	s29 =	simm.s32 $0x9;
	_ =	strace $0x80000048  }
0xb4: {  	_ =	swait.ge [sflag:s29], $0x1  }
0xb5: {  	[sflag:s29] =	ssyncadd.s32 $0xFFFFFFFF  }
0xb6: {  	_ =	strace $0x90000048  }
0xb7: {  	_ =	sfence  }
0xb8: {  	s30 =	sld [smem:$0x0];
	_ =	sdelay $0x2  }
0xb9: {  	s31 =	sshll.u32 s1, $0xD;
	s1 =	sshrl.u32 s1, $0x2  }
0xba: {  	s3 =	sand.u32 $0x4000, s31;
	s1 =	sadd.s32 s1, s30  }
0xbb: {  	s0 =	sor.u32 s3, s0;
	s1 =	sshll.u32 s1, $0x11  }
0xbc: {  	s0 =	sor.u32 s1, s0  }
0xbd: {  	s0 =	sadd.s32 $0x8F2B, s0  }
0xbe: {  	[sflag:s0] =	ssyncadd.remote.s32 $0x1  }
0xbf: {  	_ =	sfence.sel $0xFFFF  }
0xc0: {  	[dreg:$0x0] =	wrdreg $0xFFFFFFFF;
	(pc) =	sbr.abs _section_cstart, $3  }
0xc1: {  	[dreg:$0x1] =	wrdreg $0xFFFFFFFF  }
0xc2: {  	_ =	task.clear_ibuf [dreg:s8], $0x2FFFF;
	_ =	strace $0x9FFFFFFF  }
0xc3: {  	(tm) =	ssettm $0x7FFFFFFF  }
tec
execute0_lowered:
.L_overlay_start_1:
0x0: {  	(tag) =	ssettag $0x1  }
0x1: {  	s3 =	rddreg [dreg:$0x0]  }
0x2: {  	s8 =	rddreg [dreg:$0x1];
	s1 =	simm.s32 $0x0  }
0x3: {  	v0 =	vimm.f32 $0.0e+00;
	[smem:$0x7FF] =	sst s1  }
0x4: {  	s0 =	rddreg [dreg:$0x2];
	_ =	strace $0x80000047;
	[tilespmem:$0x10060] =	vst v0  }
0x5: {  	[tilespmem:$0x10070] =	vst v0  }
0x6: {  	[tilespmem:$0x10080] =	vst v0  }
0x7: {  	[tilespmem:$0x10000] =	vst v0  }
0x8: {  	[tilespmem:$0x100F0] =	vst v0  }
0x9: {  	[tilespmem:$0x100E0] =	vst v0  }
0xa: {  	[tilespmem:$0x100D0] =	vst v0  }
0xb: {  	[tilespmem:$0x100C0] =	vst v0  }
0xc: {  	[tilespmem:$0x100B0] =	vst v0  }
0xd: {  	[tilespmem:$0x100A0] =	vst v0  }
0xe: {  	[tilespmem:$0x10090] =	vst v0  }
0xf: {  	s4 =	srdreg.scid;
	s2 =	stileid.u32;
	[tilespmem:$0x10050] =	vst v0  }
0x10: {  	s9 =	sand.u32 $0x1, s4;
	s29 =	sshll.u32 s2, $0x1;
	[tilespmem:$0x10040] =	vst v0  }
0x11: {  	s10 =	sor.u32 s9, s29;
	[tilespmem:$0x10030] =	vst v0  }
0x12: {  	[tilespmem:$0x10020] =	vst v0;
	s4 =	sshll.u32 s10, $0xF  }
0x13: {  	[tilespmem:$0x10010] =	vst v0;
	s4 =	sadd.s32 s3, s4;
	s3 =	simm.s32 $0x1  }
0x14: {  	[tilespmem:s1], [sflag:$0x1] =	stream.linear.gather [hbm4b:s4+s1], $0x10000, $0x38;
	[tilespmem:$0x10100] =	vst v63  }
0x15: {  	_ =	swait.ge [sflag:s3], $0x10000  }
0x16: {  	[sflag:s3] =	ssyncset.done $0x0  }
0x17: {  	[sflag:s3] =	ssyncadd.s32 $0xFFFF0000  }
0x18: {  	v1 =	vld [tilespmem:$0x10000]  }
0x19: {  	v2 =	vld [tilespmem:$0x0];
	_ =	sdelay $0x4  }
0x1a: {  	v1 =	vadd.f32 v2, v1;
	_ =	sdelay $0x1  }
0x1b: {  	s5 =	sadd.s32 $0x2000, s4;
	[tilespmem:$0x10000] =	vst v1  }
0x1c: {  	[tilespmem:s1], [sflag:$0x1] =	stream.linear.gather [hbm4b:s5+s1], $0x10000, $0x38;
	[tilespmem:$0x10100] =	vst v63  }
0x1d: {  	_ =	swait.ge [sflag:s3], $0x10000  }
0x1e: {  	[sflag:s3] =	ssyncset.done $0x0  }
0x1f: {  	[sflag:s3] =	ssyncadd.s32 $0xFFFF0000  }
0x20: {  	v1 =	vld [tilespmem:$0x10000]  }
0x21: {  	v2 =	vld [tilespmem:$0x0];
	_ =	sdelay $0x4  }
0x22: {  	v1 =	vadd.f32 v2, v1;
	_ =	sdelay $0x1  }
0x23: {  	s6 =	sadd.s32 $0x4000, s4;
	[tilespmem:$0x10000] =	vst v1  }
0x24: {  	[tilespmem:s1], [sflag:$0x1] =	stream.linear.gather [hbm4b:s6+s1], $0x10000, $0x38;
	[tilespmem:$0x10100] =	vst v63  }
0x25: {  	_ =	swait.ge [sflag:s3], $0x10000  }
0x26: {  	[sflag:s3] =	ssyncset.done $0x0  }
0x27: {  	[sflag:s3] =	ssyncadd.s32 $0xFFFF0000  }
0x28: {  	v1 =	vld [tilespmem:$0x10000]  }
0x29: {  	v2 =	vld [tilespmem:$0x0];
	_ =	sdelay $0x4  }
0x2a: {  	v1 =	vadd.f32 v2, v1;
	_ =	sdelay $0x1  }
0x2b: {  	s7 =	sadd.s32 $0x6000, s4;
	[tilespmem:$0x10000] =	vst v1  }
0x2c: {  	[tilespmem:s1], [sflag:$0x1] =	stream.linear.gather [hbm4b:s7+s1], $0x10000, $0x38;
	[tilespmem:$0x10100] =	vst v63  }
0x2d: {  	s9 =	ssub.s32 $0x2, s9;
	_ =	swait.ge [sflag:s3], $0x10000  }
0x2e: {  	s11 =	sshrl.u32 s9, $0x1;
	[sflag:s3] =	ssyncset.done $0x0  }
0x2f: {  	s9 =	ssub.s32 s9, s11;
	[sflag:s3] =	ssyncadd.s32 $0xFFFF0000  }
0x30: {  	s31 =	smax.u32 s9, $0x1;
	v1 =	vld [tilespmem:$0x10000]  }
0x31: {  	p0 =	sne.s32 s31, $0x1;
	v2 =	vld [tilespmem:$0x0]  }
.Ltmp0:
0x32: {  	s12 =	sshll.u32 s2, $0x6;
	(pc) =	sbr.rel @!p0 .LBB2_2-.Ltmp0, $4  }
0x33: {  	s30 =	sand.u32 $0x300, s12;
	s10 =	sshll.u32 s10, $0x4  }
0x34: {  	s8 =	sadd.s32 s8, s30;
	s10 =	sand.u32 $0x70, s10  }
0x35: {  	s11 =	simm.s32 $0x10000;
	s8 =	sadd.s32 s10, s8  }
0x36: {  	s9 =	simm.s32 $0x80;
	s10 =	simm.s32 $0x400;
	s12 =	sadd.s32 $0xFFFFFFFF, s31;
	v1 =	vadd.f32 v2, v1  }
.LBB2_1:
0x37: {  	_ = 	snop  }
0x38: {  	p0 =	sne.s32 s12, $0x1;
	s12 =	sadd.s32 $0xFFFFFFFF, s12;
	[tilespmem:$0x10000] =	vst v1  }
0x39: {  	[hbm4b:s8+s9] =	stream.strided.scatter [tilespmem:s11], [sflag:$0x1], $0x100, s10, s9, $0x38;
	[tilespmem:$0x10100] =	vst v63  }
0x3a: {  	_ =	swait.ge [sflag:s3], $0x100  }
0x3b: {  	[sflag:s3] =	ssyncset.done $0x0  }
0x3c: {  	[sflag:s3] =	ssyncadd.s32 $0xFFFFFF00  }
0x3d: {  	[tilespmem:$0x10060] =	vst v0  }
0x3e: {  	[tilespmem:$0x10070] =	vst v0  }
0x3f: {  	[tilespmem:$0x10080] =	vst v0  }
0x40: {  	[tilespmem:$0x10000] =	vst v0  }
0x41: {  	[tilespmem:$0x100F0] =	vst v0  }
0x42: {  	[tilespmem:$0x100E0] =	vst v0  }
0x43: {  	[tilespmem:$0x100D0] =	vst v0  }
0x44: {  	[tilespmem:$0x100C0] =	vst v0  }
0x45: {  	[tilespmem:$0x100B0] =	vst v0  }
0x46: {  	[tilespmem:$0x100A0] =	vst v0  }
0x47: {  	[tilespmem:$0x10090] =	vst v0  }
0x48: {  	[tilespmem:$0x10050] =	vst v0  }
0x49: {  	[tilespmem:$0x10040] =	vst v0  }
0x4a: {  	[tilespmem:$0x10030] =	vst v0  }
0x4b: {  	[tilespmem:$0x10020] =	vst v0  }
0x4c: {  	[tilespmem:$0x10010] =	vst v0  }
0x4d: {  	[tilespmem:s1], [sflag:$0x1] =	stream.linear.gather [hbm4b:s4+s1], $0x10000, $0x38;
	[tilespmem:$0x10100] =	vst v63  }
0x4e: {  	_ =	swait.ge [sflag:s3], $0x10000  }
0x4f: {  	[sflag:s3] =	ssyncset.done $0x0  }
0x50: {  	[sflag:s3] =	ssyncadd.s32 $0xFFFF0000  }
0x51: {  	v1 =	vld [tilespmem:$0x10000]  }
0x52: {  	v2 =	vld [tilespmem:$0x0];
	_ =	sdelay $0x4  }
0x53: {  	v1 =	vadd.f32 v2, v1;
	_ =	sdelay $0x1  }
0x54: {  	[tilespmem:$0x10000] =	vst v1  }
0x55: {  	[tilespmem:s1], [sflag:$0x1] =	stream.linear.gather [hbm4b:s5+s1], $0x10000, $0x38;
	[tilespmem:$0x10100] =	vst v63  }
0x56: {  	_ =	swait.ge [sflag:s3], $0x10000  }
0x57: {  	[sflag:s3] =	ssyncset.done $0x0  }
0x58: {  	[sflag:s3] =	ssyncadd.s32 $0xFFFF0000  }
0x59: {  	v1 =	vld [tilespmem:$0x10000]  }
0x5a: {  	v2 =	vld [tilespmem:$0x0];
	_ =	sdelay $0x4  }
0x5b: {  	v1 =	vadd.f32 v2, v1;
	_ =	sdelay $0x1  }
0x5c: {  	[tilespmem:$0x10000] =	vst v1  }
0x5d: {  	[tilespmem:s1], [sflag:$0x1] =	stream.linear.gather [hbm4b:s6+s1], $0x10000, $0x38;
	[tilespmem:$0x10100] =	vst v63  }
0x5e: {  	_ =	swait.ge [sflag:s3], $0x10000  }
0x5f: {  	[sflag:s3] =	ssyncset.done $0x0  }
0x60: {  	[sflag:s3] =	ssyncadd.s32 $0xFFFF0000  }
0x61: {  	v1 =	vld [tilespmem:$0x10000]  }
0x62: {  	v2 =	vld [tilespmem:$0x0];
	_ =	sdelay $0x4  }
0x63: {  	v1 =	vadd.f32 v2, v1;
	_ =	sdelay $0x1  }
0x64: {  	[tilespmem:$0x10000] =	vst v1  }
0x65: {  	[tilespmem:s1], [sflag:$0x1] =	stream.linear.gather [hbm4b:s7+s1], $0x10000, $0x38;
	[tilespmem:$0x10100] =	vst v63  }
0x66: {  	_ =	swait.ge [sflag:s3], $0x10000  }
0x67: {  	[sflag:s3] =	ssyncset.done $0x0  }
0x68: {  	[sflag:s3] =	ssyncadd.s32 $0xFFFF0000  }
0x69: {  	v1 =	vld [tilespmem:$0x10000]  }
0x6a: {  	v2 =	vld [tilespmem:$0x0]  }
.Ltmp1:
0x6b: {  	(pc) =	sbr.rel @p0 .LBB2_1-.Ltmp1, $2  }
0x6c: {  	_ =	sdelay $0x2  }
0x6d: {  	v1 =	vadd.f32 v2, v1  }
.LBB2_2:
0x6e: {  	_ = 	snop  }
0x6f: {  	[tilespmem:$0x10000] =	vst v1  }
0x70: {  	[hbm4b:s8+s9] =	stream.strided.scatter [tilespmem:s11], [sflag:$0x1], $0x100, s10, s9, $0x38;
	[tilespmem:$0x10100] =	vst v63  }
0x71: {  	_ =	swait.ge [sflag:s3], $0x100  }
0x72: {  	[sflag:s3] =	ssyncset.done $0x0  }
0x73: {  	[sflag:s3] =	ssyncadd.s32 $0xFFFFFF00  }
0x74: {  	_ =	sfence.sel $0x180000  }
0x75: {  	[bflag:$0x0] =	sbarrier.arrive $0xFFFF  }
0x76: {  	p0 =	sne.s32 s2, $0x0;
	_ =	strace $0x90000047  }
0x77: {  	s0 =	sadd.s32 @!p0 $0x100000, s0;
	[bflag:$0x2] =	sbarrier.arrive $0xFFFF  }
0x78: {  	[sflag:s0] =	ssyncadd.tile.s32 @!p0 $0x1;
	_ =	shalt  }
.Lfunc_end2:
_tile_overlayer_lowered:
.L_overlay_start_2:
0x79: {  	(tag) =	ssettag $0x2  }
0x7a: {  	s0 =	rddreg [dreg:$0x0];
	s2 =	stileid.u32  }
0x7b: {  	s1 =	rddreg [dreg:$0x1];
	p0 =	sne.s32 s2, $0x0  }
0x7c: {  	s3 =	rddreg [dreg:$0x2];
	[bflag:$0x3] =	sbarrier.arrive $0xFFFF;
	s2 =	simm.s32 @!p0 $0x1C01  }
0x7d: {  	[timem:s3], [sflag:s2] =	dma.local @!p0 [hbm:s0], s1  }
0x7e: {  	s0 =	simm.s32 @!p0 $0x1  }
0x7f: {  	_ =	swait.ge @!p0 [sflag:s0], s1  }
0x80: {  	s1 =	ssub.s32 @!p0 $0x0, s1;
	[sflag:s0] =	ssyncset.done @!p0 $0x0  }
0x81: {  	[sflag:s0] =	ssyncadd.s32 @!p0 s1  }
0x82: {  	[bflag:$0x3] =	sbarrier.arrive $0xFFFF  }
0x83: {  	_ =	shalt  }

</sc_bundles>
